<compile_context>
chip_gen: v7x
topology: tpu7x:2x2x1
jax: 0.10.2.dev20260603
libtpu: 0.0.44.dev20260713+nightly
codegen_flags: <defaults>
</compile_context>

<pallas_src>
import numpy as np
import jax
import jax.numpy as jnp
from jax.experimental import pallas as pl

_A = 9
_PA = 16
_FH, _FW = 64, 100
_P = _FH * _FW
_STRIDE = 16
_PRE = 6000
_POST = 300
_NMS_TH = 0.7
_MIN_SIZE = 16.0
_NPAD = 6144
_ROWS = 48


def _anchor_params():
    scales = np.array([8.0, 16.0, 32.0])
    ratios = np.array([0.5, 1.0, 2.0])
    size = 16.0 * 16.0
    ws0 = np.round(np.sqrt(size / ratios))
    hs0 = np.round(ws0 * ratios)
    boxes = []
    for w0, h0 in zip(ws0, hs0):
        ws2 = w0 * scales
        hs2 = h0 * scales
        boxes.append(np.stack([7.5 - 0.5 * (ws2 - 1), 7.5 - 0.5 * (hs2 - 1),
                               7.5 + 0.5 * (ws2 - 1), 7.5 + 0.5 * (hs2 - 1)], axis=1))
    anc = np.concatenate(boxes, axis=0).astype(np.float32)
    wa = (anc[:, 2] - anc[:, 0] + np.float32(1.0)).astype(np.float32)
    ha = (anc[:, 3] - anc[:, 1] + np.float32(1.0)).astype(np.float32)
    cxa = (anc[:, 0] + np.float32(0.5) * wa).astype(np.float32)
    cya = (anc[:, 1] + np.float32(0.5) * ha).astype(np.float32)
    out = np.ones((4, _PA), dtype=np.float32)
    out[0, :_A] = wa
    out[1, :_A] = ha
    out[2, :_A] = cxa
    out[3, :_A] = cya
    return out


_ANC = _anchor_params()


def _decode_body(feat_ref, wb_ref, bb_ref, anc_ref, sx_ref, sy_ref, im_ref, out_ref):
    feat = feat_ref[:, :]
    wb = wb_ref[:, :]
    pred = jnp.dot(wb, feat, preferred_element_type=jnp.float32) + bb_ref[:, :]
    dx = pred[0 * _PA:1 * _PA, :]
    dy = pred[1 * _PA:2 * _PA, :]
    dw = pred[2 * _PA:3 * _PA, :]
    dh = pred[3 * _PA:4 * _PA, :]
    wa = anc_ref[0:1, :].reshape(_PA, 1)
    ha = anc_ref[1:2, :].reshape(_PA, 1)
    cxa = anc_ref[2:3, :].reshape(_PA, 1)
    cya = anc_ref[3:4, :].reshape(_PA, 1)
    sx = sx_ref[:, :]
    sy = sy_ref[:, :]
    xmax = im_ref[0, 1] - 1.0
    ymax = im_ref[0, 0] - 1.0
    pcx = dx * wa + (cxa + sx)
    pcy = dy * ha + (cya + sy)
    pw = jnp.exp(dw) * wa
    ph = jnp.exp(dh) * ha
    x1 = jnp.clip(pcx - 0.5 * pw, 0.0, xmax)
    y1 = jnp.clip(pcy - 0.5 * ph, 0.0, ymax)
    x2 = jnp.clip(pcx + 0.5 * pw, 0.0, xmax)
    y2 = jnp.clip(pcy + 0.5 * ph, 0.0, ymax)
    out_ref[0, :, :] = x1
    out_ref[1, :, :] = y1
    out_ref[2, :, :] = x2
    out_ref[3, :, :] = y2


def _nms_body(coords_ref, boxes_ref, supp_ref):
    x1a = coords_ref[0, :, :]
    y1a = coords_ref[1, :, :]
    x2a = coords_ref[2, :, :]
    y2a = coords_ref[3, :, :]
    areas = (x2a - x1a + 1.0) * (y2a - y1a + 1.0)
    idx2d = (jax.lax.broadcasted_iota(jnp.int32, (_ROWS, 128), 0) * 128
             + jax.lax.broadcasted_iota(jnp.int32, (_ROWS, 128), 1))

    def body(i, supp):
        row = boxes_ref[pl.ds(i, 1), :]
        x1i = row[0, 0]
        y1i = row[0, 1]
        x2i = row[0, 2]
        y2i = row[0, 3]
        ar_i = (x2i - x1i + 1.0) * (y2i - y1i + 1.0)
        supp_i = jnp.max(jnp.where(idx2d == i, supp, 0.0))
        iw = jnp.maximum(0.0, jnp.minimum(x2i, x2a) - jnp.maximum(x1i, x1a) + 1.0)
        ih = jnp.maximum(0.0, jnp.minimum(y2i, y2a) - jnp.maximum(y1i, y1a) + 1.0)
        inter = iw * ih
        iou = inter / (ar_i + areas - inter)
        cond = (iou > _NMS_TH) & (idx2d > i) & (supp_i < 0.5)
        return jnp.where(cond, 1.0, supp)

    supp = jax.lax.fori_loop(0, _PRE, body, jnp.zeros((_ROWS, 128), jnp.float32))
    supp_ref[:, :] = supp


def kernel(base_feature, im_info, gt_boxes, W_conv, b_conv, W_cls, b_cls, W_bbox, b_bbox):
    rpn_conv = jax.nn.relu(
        jax.lax.conv_general_dilated(base_feature, W_conv, (1, 1), 'SAME',
                                     dimension_numbers=('NCHW', 'OIHW', 'NCHW'))
        + b_conv[None, :, None, None])
    cls_score = (jax.lax.conv_general_dilated(rpn_conv, W_cls, (1, 1), 'VALID',
                                              dimension_numbers=('NCHW', 'OIHW', 'NCHW'))
                 + b_cls[None, :, None, None])
    B, C, H, W = cls_score.shape
    prob = jax.nn.softmax(cls_score.reshape(B, 2, -1, W), axis=1).reshape(B, C, H, W)
    scores = jnp.transpose(prob[:, _A:, :, :], (0, 2, 3, 1)).reshape(-1)

    feat2d = rpn_conv.reshape(128, _P)
    wb = W_bbox.reshape(_A, 4, 128).transpose(1, 0, 2)
    wb = jnp.concatenate([wb, jnp.zeros((4, _PA - _A, 128), jnp.float32)], axis=1)
    wb = wb.reshape(4 * _PA, 128)
    bb = b_bbox.reshape(_A, 4).T
    bb = jnp.concatenate([bb, jnp.zeros((4, _PA - _A), jnp.float32)], axis=1)
    bb = bb.reshape(4 * _PA, 1)
    px = jnp.arange(_FW, dtype=jnp.float32) * _STRIDE
    py = jnp.arange(_FH, dtype=jnp.float32) * _STRIDE
    sx = jnp.tile(px, _FH).reshape(1, _P)
    sy = jnp.repeat(py, _FW).reshape(1, _P)
    anc = jnp.asarray(_ANC)

    coords = pl.pallas_call(
        _decode_body,
        out_shape=jax.ShapeDtypeStruct((4, _PA, _P), jnp.float32),
    )(feat2d, wb, bb, anc, sx, sy, im_info)

    proposals = coords[:, :_A, :].transpose(2, 1, 0).reshape(-1, 4)

    ws = proposals[:, 2] - proposals[:, 0] + 1.0
    hs = proposals[:, 3] - proposals[:, 1] + 1.0
    min_sz = _MIN_SIZE * im_info[0, 2]
    scores = jnp.where((ws >= min_sz) & (hs >= min_sz), scores, -jnp.inf)
    order = jnp.argsort(-scores)[:_PRE]
    boxes_s = proposals[order]

    boxes_p = jnp.concatenate(
        [boxes_s, jnp.zeros((_NPAD - _PRE, 4), jnp.float32)], axis=0)
    coords4 = boxes_p.T.reshape(4, _ROWS, 128)

    supp = pl.pallas_call(
        _nms_body,
        out_shape=jax.ShapeDtypeStruct((_ROWS, 128), jnp.float32),
    )(coords4, boxes_p)

    supp_flat = supp.reshape(_NPAD)[:_PRE]
    idx = jnp.arange(_PRE)
    pri = jnp.where(supp_flat < 0.5, idx, idx + _PRE)
    keep = jnp.argsort(pri)[:_POST]
    rois_boxes = boxes_s[keep]
    rois = jnp.concatenate(
        [jnp.zeros((_POST, 1), rois_boxes.dtype), rois_boxes], axis=1)[None, :, :]
    return (rois, jnp.float32(0.0), jnp.float32(0.0))

# --- scband reference (transcript-rebuilt; emitter-appended) ---
"""Pipeline reference for scband-rpn-5738076307796 (READ-ONLY COPY).

The authoritative reference and input builder live on the scoring server;
editing this copy changes nothing except your own understanding.
"""

import jax, jax.numpy as jnp
import numpy as np

IN_DEPTH = 128
FH, FW = 64, 100
A = 9
FEAT_STRIDE = 16
PRE_NMS_TOPN = 6000
POST_NMS_TOPN = 300
NMS_THRESH = 0.7
MIN_SIZE = 16.0
_SCALES = np.array([8.0, 16.0, 32.0])
_RATIOS = np.array([0.5, 1.0, 2.0])


def _generate_anchors():
    x_ctr = 7.5
    y_ctr = 7.5
    size = 16.0 * 16.0
    ws = np.round(np.sqrt(size / _RATIOS))
    hs = np.round(ws * _RATIOS)
    out = []
    for w0, h0 in zip(ws, hs):
        ws2 = w0 * _SCALES
        hs2 = h0 * _SCALES
        out.append(np.stack([x_ctr - 0.5 * (ws2 - 1), y_ctr - 0.5 * (hs2 - 1), x_ctr + 0.5 * (ws2 - 1), y_ctr + 0.5 * (hs2 - 1)], axis=1))
    return np.concatenate(out, axis=0).astype(np.float32)


def _conv(x, w, b, padding):
    out = jax.lax.conv_general_dilated(x, w, (1, 1), padding, dimension_numbers=('NCHW', 'OIHW', 'NCHW'))
    return out + b[None, :, None, None]


def _nms_indices(boxes):
    boxes = jax.lax.stop_gradient(boxes)
    N = boxes.shape[0]
    x1, y1, x2, y2 = boxes[:, 0], boxes[:, 1], boxes[:, 2], boxes[:, 3]
    areas = (x2 - x1 + 1.0) * (y2 - y1 + 1.0)
    idx = jnp.arange(N)

    def body(i, suppressed):
        iw = jnp.maximum(0.0, jnp.minimum(x2[i], x2) - jnp.maximum(x1[i], x1) + 1.0)
        ih = jnp.maximum(0.0, jnp.minimum(y2[i], y2) - jnp.maximum(y1[i], y1) + 1.0)
        inter = iw * ih
        iou = inter / (areas[i] + areas - inter)
        mask = (iou > NMS_THRESH) & (idx > i) & jnp.logical_not(suppressed[i])
        return suppressed | mask

    suppressed = jax.lax.fori_loop(0, N, body, jnp.zeros((N,), dtype=bool))
    keep = jnp.logical_not(suppressed)
    pri = jnp.where(keep, idx, idx + N)
    return jnp.argsort(pri)[:POST_NMS_TOPN]


def _rpn_forward(base_feature, W_conv, b_conv, W_cls, b_cls, W_bbox, b_bbox, im_info):
    rpn_conv = jax.nn.relu(_conv(base_feature, W_conv, b_conv, 'SAME'))
    cls_score = _conv(rpn_conv, W_cls, b_cls, 'VALID')
    B, C, H, W = cls_score.shape
    score_rs = cls_score.reshape(B, 2, -1, W)
    prob = jax.nn.softmax(score_rs, axis=1).reshape(B, C, H, W)
    bbox_pred = _conv(rpn_conv, W_bbox, b_bbox, 'VALID')
    fg = prob[:, A:, :, :]
    scores = jnp.transpose(fg, (0, 2, 3, 1)).reshape(-1)
    deltas = jnp.transpose(bbox_pred, (0, 2, 3, 1)).reshape(-1, 4)
    anchors = jnp.asarray(_generate_anchors())
    sx, sy = jnp.meshgrid(jnp.arange(W) * FEAT_STRIDE, jnp.arange(H) * FEAT_STRIDE)
    shifts = jnp.stack([sx.ravel(), sy.ravel(), sx.ravel(), sy.ravel()], axis=1).astype(jnp.float32)
    all_anchors = (anchors[None, :, :] + shifts[:, None, :]).reshape(-1, 4)
    widths = all_anchors[:, 2] - all_anchors[:, 0] + 1.0
    heights = all_anchors[:, 3] - all_anchors[:, 1] + 1.0
    ctr_x = all_anchors[:, 0] + 0.5 * widths
    ctr_y = all_anchors[:, 1] + 0.5 * heights
    dx, dy, dw, dh = deltas[:, 0], deltas[:, 1], deltas[:, 2], deltas[:, 3]
    pred_ctr_x = dx * widths + ctr_x
    pred_ctr_y = dy * heights + ctr_y
    pred_w = jnp.exp(dw) * widths
    pred_h = jnp.exp(dh) * heights
    x1 = jnp.clip(pred_ctr_x - 0.5 * pred_w, 0.0, im_info[0, 1] - 1.0)
    y1 = jnp.clip(pred_ctr_y - 0.5 * pred_h, 0.0, im_info[0, 0] - 1.0)
    x2 = jnp.clip(pred_ctr_x + 0.5 * pred_w, 0.0, im_info[0, 1] - 1.0)
    y2 = jnp.clip(pred_ctr_y + 0.5 * pred_h, 0.0, im_info[0, 0] - 1.0)
    proposals = jnp.stack([x1, y1, x2, y2], axis=1)
    ws = x2 - x1 + 1.0
    hs = y2 - y1 + 1.0
    min_sz = MIN_SIZE * im_info[0, 2]
    scores = jnp.where((ws >= min_sz) & (hs >= min_sz), scores, -jnp.inf)
    order = jnp.argsort(-scores)[:PRE_NMS_TOPN]
    boxes_s = proposals[order]
    keep_idx = _nms_indices(boxes_s)
    rois_boxes = boxes_s[keep_idx]
    rois = jnp.concatenate([jnp.zeros((POST_NMS_TOPN, 1), dtype=rois_boxes.dtype), rois_boxes], axis=1)[None, :, :]
    return rois


def setup_inputs(seed: int = 0):
    key = jax.random.key(seed)
    ks = jax.random.split(key, 8)
    base_feature = jax.random.normal(ks[0], (1, IN_DEPTH, FH, FW), dtype=jnp.float32)
    im_info = jnp.array([[FH * FEAT_STRIDE, FW * FEAT_STRIDE, 1.0]], dtype=jnp.float32)
    gt_boxes = jax.random.uniform(ks[1], (1, 20, 5), dtype=jnp.float32) * 100.0
    W_conv = jax.random.normal(ks[2], (IN_DEPTH, IN_DEPTH, 3, 3), dtype=jnp.float32) * 0.01
    b_conv = jnp.zeros((IN_DEPTH,), dtype=jnp.float32)
    W_cls = jax.random.normal(ks[3], (2 * A, IN_DEPTH, 1, 1), dtype=jnp.float32) * 0.01
    b_cls = jnp.zeros((2 * A,), dtype=jnp.float32)
    W_bbox = jax.random.normal(ks[4], (4 * A, IN_DEPTH, 1, 1), dtype=jnp.float32) * 0.01
    b_bbox = jnp.zeros((4 * A,), dtype=jnp.float32)
    return {"base_feature": base_feature, "im_info": im_info, "gt_boxes": gt_boxes, "W_conv": W_conv, "b_conv": b_conv, "W_cls": W_cls, "b_cls": b_cls, "W_bbox": W_bbox, "b_bbox": b_bbox}


def reference(base_feature, im_info, gt_boxes, W_conv, b_conv, W_cls, b_cls, W_bbox, b_bbox):
    rois = _rpn_forward(base_feature, W_conv, b_conv, W_cls, b_cls, W_bbox, b_bbox, im_info)
    return (rois, jnp.float32(0.0), jnp.float32(0.0))

if __name__ == "__main__":
    import jax
    _d = setup_inputs()
    print(jax.jit(kernel)(*tuple(_d.values())))

</pallas_src>

<mosaic_0001>
module attributes {stable_mosaic.version = 14 : i64} {
  func.func @_decode_body(%arg0: memref<128x6400xf32, #tpu.memory_space<vmem>>, %arg1: memref<64x128xf32, #tpu.memory_space<vmem>>, %arg2: memref<64x1xf32, #tpu.memory_space<vmem>>, %arg3: memref<4x16xf32, #tpu.memory_space<vmem>>, %arg4: memref<1x6400xf32, #tpu.memory_space<vmem>>, %arg5: memref<1x6400xf32, #tpu.memory_space<vmem>>, %arg6: memref<1x3xf32, #tpu.memory_space<vmem>>, %arg7: memref<4x16x6400xf32, #tpu.memory_space<vmem>>) attributes {dimension_semantics = [], scalar_prefetch = 0 : i64, scratch_operands = 0 : i64, tpu.core_type = #tpu.core_type<tc>} {
    %get3A = arith.constant 0 : index
    %get3A_0 = arith.constant 0 : index
    %get3A_1 = vector.load %arg0[%get3A, %get3A_0] : memref<128x6400xf32, #tpu.memory_space<vmem>>, vector<128x6400xf32>
    %get3A_2 = arith.constant 0 : index
    %get3A_3 = arith.constant 0 : index
    %get3A_4 = vector.load %arg1[%get3A_2, %get3A_3] : memref<64x128xf32, #tpu.memory_space<vmem>>, vector<64x128xf32>
    %dot_general3A = arith.constant dense<0.000000e+00> : vector<64x6400xf32>
    %dot_general3A_5 = tpu.matmul %get3A_4, %get3A_1, %dot_general3A {dimension_numbers = #tpu.dot_dimension_numbers<[1], [0], [0], [1], [0, 0, 1, 1], [], []>, transpose_lhs_hint = false} : vector<64x128xf32>, vector<128x6400xf32>, vector<64x6400xf32> -> vector<64x6400xf32>
    %get3A_6 = arith.constant 0 : index
    %get3A_7 = arith.constant 0 : index
    %get3A_8 = vector.load %arg2[%get3A_6, %get3A_7] : memref<64x1xf32, #tpu.memory_space<vmem>>, vector<64x1xf32>
    %add3A = vector.broadcast %get3A_8 : vector<64x1xf32> to vector<64x6400xf32>
    %add3A_9 = arith.addf %dot_general3A_5, %add3A : vector<64x6400xf32>
    %slice3A = vector.extract_strided_slice %add3A_9 {offsets = [0, 0], sizes = [16, 6400], strides = [1, 1]} : vector<64x6400xf32> to vector<16x6400xf32>
    %slice3A_10 = vector.extract_strided_slice %add3A_9 {offsets = [16, 0], sizes = [16, 6400], strides = [1, 1]} : vector<64x6400xf32> to vector<16x6400xf32>
    %slice3A_11 = vector.extract_strided_slice %add3A_9 {offsets = [32, 0], sizes = [16, 6400], strides = [1, 1]} : vector<64x6400xf32> to vector<16x6400xf32>
    %slice3A_12 = vector.extract_strided_slice %add3A_9 {offsets = [48, 0], sizes = [16, 6400], strides = [1, 1]} : vector<64x6400xf32> to vector<16x6400xf32>
    %get3A_13 = arith.constant 0 : index
    %get3A_14 = arith.constant 0 : index
    %get3A_15 = vector.load %arg3[%get3A_13, %get3A_14] : memref<4x16xf32, #tpu.memory_space<vmem>>, vector<1x16xf32>
    %reshape3A = vector.shape_cast %get3A_15 : vector<1x16xf32> to vector<16x1xf32>
    %get3A_16 = arith.constant 1 : index
    %get3A_17 = arith.constant 0 : index
    %get3A_18 = vector.load %arg3[%get3A_16, %get3A_17] : memref<4x16xf32, #tpu.memory_space<vmem>>, vector<1x16xf32>
    %reshape3A_19 = vector.shape_cast %get3A_18 : vector<1x16xf32> to vector<16x1xf32>
    %get3A_20 = arith.constant 2 : index
    %get3A_21 = arith.constant 0 : index
    %get3A_22 = vector.load %arg3[%get3A_20, %get3A_21] : memref<4x16xf32, #tpu.memory_space<vmem>>, vector<1x16xf32>
    %reshape3A_23 = vector.shape_cast %get3A_22 : vector<1x16xf32> to vector<16x1xf32>
    %get3A_24 = arith.constant 3 : index
    %get3A_25 = arith.constant 0 : index
    %get3A_26 = vector.load %arg3[%get3A_24, %get3A_25] : memref<4x16xf32, #tpu.memory_space<vmem>>, vector<1x16xf32>
    %reshape3A_27 = vector.shape_cast %get3A_26 : vector<1x16xf32> to vector<16x1xf32>
    %get3A_28 = arith.constant 0 : index
    %get3A_29 = arith.constant 0 : index
    %get3A_30 = vector.load %arg4[%get3A_28, %get3A_29] : memref<1x6400xf32, #tpu.memory_space<vmem>>, vector<1x6400xf32>
    %get3A_31 = arith.constant 0 : index
    %get3A_32 = arith.constant 0 : index
    %get3A_33 = vector.load %arg5[%get3A_31, %get3A_32] : memref<1x6400xf32, #tpu.memory_space<vmem>>, vector<1x6400xf32>
    %get3A_34 = arith.constant 0 : index
    %get3A_35 = arith.constant 1 : index
    %get3A_36 = vector.load %arg6[%get3A_34, %get3A_35] : memref<1x3xf32, #tpu.memory_space<vmem>>, vector<1x1xf32>
    %get3A_37 = vector.extract %get3A_36[0, 0] : f32 from vector<1x1xf32>
    %sub3A = arith.constant 1.000000e+00 : f32
    %sub3A_38 = arith.subf %get3A_37, %sub3A : f32
    %get3A_39 = arith.constant 0 : index
    %get3A_40 = arith.constant 0 : index
    %get3A_41 = vector.load %arg6[%get3A_39, %get3A_40] : memref<1x3xf32, #tpu.memory_space<vmem>>, vector<1x1xf32>
    %get3A_42 = vector.extract %get3A_41[0, 0] : f32 from vector<1x1xf32>
    %sub3A_43 = arith.constant 1.000000e+00 : f32
    %sub3A_44 = arith.subf %get3A_42, %sub3A_43 : f32
    %mul3A = vector.broadcast %reshape3A : vector<16x1xf32> to vector<16x6400xf32>
    %mul3A_45 = arith.mulf %slice3A, %mul3A : vector<16x6400xf32>
    %add3A_46 = vector.broadcast %reshape3A_23 : vector<16x1xf32> to vector<16x6400xf32>
    %add3A_47 = vector.broadcast %get3A_30 : vector<1x6400xf32> to vector<16x6400xf32>
    %add3A_48 = arith.addf %add3A_46, %add3A_47 : vector<16x6400xf32>
    %add3A_49 = arith.addf %mul3A_45, %add3A_48 : vector<16x6400xf32>
    %mul3A_50 = vector.broadcast %reshape3A_19 : vector<16x1xf32> to vector<16x6400xf32>
    %mul3A_51 = arith.mulf %slice3A_10, %mul3A_50 : vector<16x6400xf32>
    %add3A_52 = vector.broadcast %reshape3A_27 : vector<16x1xf32> to vector<16x6400xf32>
    %add3A_53 = vector.broadcast %get3A_33 : vector<1x6400xf32> to vector<16x6400xf32>
    %add3A_54 = arith.addf %add3A_52, %add3A_53 : vector<16x6400xf32>
    %add3A_55 = arith.addf %mul3A_51, %add3A_54 : vector<16x6400xf32>
    %exp3A = math.exp %slice3A_11 : vector<16x6400xf32>
    %mul3A_56 = vector.broadcast %reshape3A : vector<16x1xf32> to vector<16x6400xf32>
    %mul3A_57 = arith.mulf %exp3A, %mul3A_56 : vector<16x6400xf32>
    %exp3A_58 = math.exp %slice3A_12 : vector<16x6400xf32>
    %mul3A_59 = vector.broadcast %reshape3A_19 : vector<16x1xf32> to vector<16x6400xf32>
    %mul3A_60 = arith.mulf %exp3A_58, %mul3A_59 : vector<16x6400xf32>
    %mul3A_61 = arith.constant 5.000000e-01 : f32
    %mul3A_62 = vector.broadcast %mul3A_61 : f32 to vector<16x6400xf32>
    %mul3A_63 = arith.mulf %mul3A_62, %mul3A_57 : vector<16x6400xf32>
    %sub3A_64 = arith.subf %add3A_49, %mul3A_63 : vector<16x6400xf32>
    %jit3A = arith.constant 0.000000e+00 : f32
    %max3A = vector.broadcast %jit3A : f32 to vector<16x6400xf32>
    %max3A_65 = arith.maximumf %max3A, %sub3A_64 : vector<16x6400xf32>
    %min3A = vector.broadcast %sub3A_38 : f32 to vector<16x6400xf32>
    %min3A_66 = arith.minimumf %min3A, %max3A_65 : vector<16x6400xf32>
    %mul3A_67 = arith.constant 5.000000e-01 : f32
    %mul3A_68 = vector.broadcast %mul3A_67 : f32 to vector<16x6400xf32>
    %mul3A_69 = arith.mulf %mul3A_68, %mul3A_60 : vector<16x6400xf32>
    %sub3A_70 = arith.subf %add3A_55, %mul3A_69 : vector<16x6400xf32>
    %jit3A_71 = arith.constant 0.000000e+00 : f32
    %max3A_72 = vector.broadcast %jit3A_71 : f32 to vector<16x6400xf32>
    %max3A_73 = arith.maximumf %max3A_72, %sub3A_70 : vector<16x6400xf32>
    %min3A_74 = vector.broadcast %sub3A_44 : f32 to vector<16x6400xf32>
    %min3A_75 = arith.minimumf %min3A_74, %max3A_73 : vector<16x6400xf32>
    %mul3A_76 = arith.constant 5.000000e-01 : f32
    %mul3A_77 = vector.broadcast %mul3A_76 : f32 to vector<16x6400xf32>
    %mul3A_78 = arith.mulf %mul3A_77, %mul3A_57 : vector<16x6400xf32>
    %add3A_79 = arith.addf %add3A_49, %mul3A_78 : vector<16x6400xf32>
    %jit3A_80 = arith.constant 0.000000e+00 : f32
    %max3A_81 = vector.broadcast %jit3A_80 : f32 to vector<16x6400xf32>
    %max3A_82 = arith.maximumf %max3A_81, %add3A_79 : vector<16x6400xf32>
    %min3A_83 = vector.broadcast %sub3A_38 : f32 to vector<16x6400xf32>
    %min3A_84 = arith.minimumf %min3A_83, %max3A_82 : vector<16x6400xf32>
    %mul3A_85 = arith.constant 5.000000e-01 : f32
    %mul3A_86 = vector.broadcast %mul3A_85 : f32 to vector<16x6400xf32>
    %mul3A_87 = arith.mulf %mul3A_86, %mul3A_60 : vector<16x6400xf32>
    %add3A_88 = arith.addf %add3A_55, %mul3A_87 : vector<16x6400xf32>
    %jit3A_89 = arith.constant 0.000000e+00 : f32
    %max3A_90 = vector.broadcast %jit3A_89 : f32 to vector<16x6400xf32>
    %max3A_91 = arith.maximumf %max3A_90, %add3A_88 : vector<16x6400xf32>
    %min3A_92 = vector.broadcast %sub3A_44 : f32 to vector<16x6400xf32>
    %min3A_93 = arith.minimumf %min3A_92, %max3A_91 : vector<16x6400xf32>
    %swap3A = arith.constant 0 : index
    %swap3A_94 = arith.constant 0 : index
    %swap3A_95 = arith.constant 0 : index
    %swap3A_96 = vector.load %arg7[%swap3A, %swap3A_94, %swap3A_95] : memref<4x16x6400xf32, #tpu.memory_space<vmem>>, vector<1x16x6400xf32>
    %swap3A_97 = vector.shape_cast %swap3A_96 : vector<1x16x6400xf32> to vector<16x6400xf32>
    %swap3A_98 = vector.shape_cast %min3A_66 : vector<16x6400xf32> to vector<1x16x6400xf32>
    tpu.vector_store %arg7[%swap3A, %swap3A_94, %swap3A_95], %swap3A_98 {strides = array<i32>} : memref<4x16x6400xf32, #tpu.memory_space<vmem>>, vector<1x16x6400xf32>,
    %swap3A_99 = arith.constant 1 : index
    %swap3A_100 = arith.constant 0 : index
    %swap3A_101 = arith.constant 0 : index
    %swap3A_102 = vector.load %arg7[%swap3A_99, %swap3A_100, %swap3A_101] : memref<4x16x6400xf32, #tpu.memory_space<vmem>>, vector<1x16x6400xf32>
    %swap3A_103 = vector.shape_cast %swap3A_102 : vector<1x16x6400xf32> to vector<16x6400xf32>
    %swap3A_104 = vector.shape_cast %min3A_75 : vector<16x6400xf32> to vector<1x16x6400xf32>
    tpu.vector_store %arg7[%swap3A_99, %swap3A_100, %swap3A_101], %swap3A_104 {strides = array<i32>} : memref<4x16x6400xf32, #tpu.memory_space<vmem>>, vector<1x16x6400xf32>,
    %swap3A_105 = arith.constant 2 : index
    %swap3A_106 = arith.constant 0 : index
    %swap3A_107 = arith.constant 0 : index
    %swap3A_108 = vector.load %arg7[%swap3A_105, %swap3A_106, %swap3A_107] : memref<4x16x6400xf32, #tpu.memory_space<vmem>>, vector<1x16x6400xf32>
    %swap3A_109 = vector.shape_cast %swap3A_108 : vector<1x16x6400xf32> to vector<16x6400xf32>
    %swap3A_110 = vector.shape_cast %min3A_84 : vector<16x6400xf32> to vector<1x16x6400xf32>
    tpu.vector_store %arg7[%swap3A_105, %swap3A_106, %swap3A_107], %swap3A_110 {strides = array<i32>} : memref<4x16x6400xf32, #tpu.memory_space<vmem>>, vector<1x16x6400xf32>,
    %swap3A_111 = arith.constant 3 : index
    %swap3A_112 = arith.constant 0 : index
    %swap3A_113 = arith.constant 0 : index
    %swap3A_114 = vector.load %arg7[%swap3A_111, %swap3A_112, %swap3A_113] : memref<4x16x6400xf32, #tpu.memory_space<vmem>>, vector<1x16x6400xf32>
    %swap3A_115 = vector.shape_cast %swap3A_114 : vector<1x16x6400xf32> to vector<16x6400xf32>
    %swap3A_116 = vector.shape_cast %min3A_93 : vector<16x6400xf32> to vector<1x16x6400xf32>
    tpu.vector_store %arg7[%swap3A_111, %swap3A_112, %swap3A_113], %swap3A_116 {strides = array<i32>} : memref<4x16x6400xf32, #tpu.memory_space<vmem>>, vector<1x16x6400xf32>,
    return
  }
}

module attributes {stable_mosaic.version = 14 : i64} {
  func.func @_nms_body(%arg0: memref<4x48x128xf32, #tpu.memory_space<vmem>>, %arg1: memref<6144x4xf32, #tpu.memory_space<vmem>>, %arg2: memref<48x128xf32, #tpu.memory_space<vmem>>) attributes {dimension_semantics = [], scalar_prefetch = 0 : i64, scratch_operands = 0 : i64, tpu.core_type = #tpu.core_type<tc>} {
    %get3A = arith.constant 0 : index
    %get3A_0 = arith.constant 0 : index
    %get3A_1 = arith.constant 0 : index
    %get3A_2 = vector.load %arg0[%get3A, %get3A_0, %get3A_1] : memref<4x48x128xf32, #tpu.memory_space<vmem>>, vector<1x48x128xf32>
    %get3A_3 = vector.shape_cast %get3A_2 : vector<1x48x128xf32> to vector<48x128xf32>
    %get3A_4 = arith.constant 1 : index
    %get3A_5 = arith.constant 0 : index
    %get3A_6 = arith.constant 0 : index
    %get3A_7 = vector.load %arg0[%get3A_4, %get3A_5, %get3A_6] : memref<4x48x128xf32, #tpu.memory_space<vmem>>, vector<1x48x128xf32>
    %get3A_8 = vector.shape_cast %get3A_7 : vector<1x48x128xf32> to vector<48x128xf32>
    %get3A_9 = arith.constant 2 : index
    %get3A_10 = arith.constant 0 : index
    %get3A_11 = arith.constant 0 : index
    %get3A_12 = vector.load %arg0[%get3A_9, %get3A_10, %get3A_11] : memref<4x48x128xf32, #tpu.memory_space<vmem>>, vector<1x48x128xf32>
    %get3A_13 = vector.shape_cast %get3A_12 : vector<1x48x128xf32> to vector<48x128xf32>
    %get3A_14 = arith.constant 3 : index
    %get3A_15 = arith.constant 0 : index
    %get3A_16 = arith.constant 0 : index
    %get3A_17 = vector.load %arg0[%get3A_14, %get3A_15, %get3A_16] : memref<4x48x128xf32, #tpu.memory_space<vmem>>, vector<1x48x128xf32>
    %get3A_18 = vector.shape_cast %get3A_17 : vector<1x48x128xf32> to vector<48x128xf32>
    %sub3A = arith.subf %get3A_13, %get3A_3 : vector<48x128xf32>
    %add3A = arith.constant 1.000000e+00 : f32
    %add3A_19 = vector.broadcast %add3A : f32 to vector<48x128xf32>
    %add3A_20 = arith.addf %sub3A, %add3A_19 : vector<48x128xf32>
    %sub3A_21 = arith.subf %get3A_18, %get3A_8 : vector<48x128xf32>
    %add3A_22 = arith.constant 1.000000e+00 : f32
    %add3A_23 = vector.broadcast %add3A_22 : f32 to vector<48x128xf32>
    %add3A_24 = arith.addf %sub3A_21, %add3A_23 : vector<48x128xf32>
    %mul3A = arith.mulf %add3A_20, %add3A_24 : vector<48x128xf32>
    %iota3A = tpu.iota {dimensions = array<i32: 0>} : vector<48x128xi32>
    %mul3A_25 = arith.constant 128 : i32
    %mul3A_26 = vector.broadcast %mul3A_25 : i32 to vector<48x128xi32>
    %mul3A_27 = arith.muli %iota3A, %mul3A_26 : vector<48x128xi32>
    %iota3A_28 = tpu.iota {dimensions = array<i32: 1>} : vector<48x128xi32>
    %add3A_29 = arith.addi %mul3A_27, %iota3A_28 : vector<48x128xi32>
    %broadcast_in_dim3A = arith.constant 0.000000e+00 : f32
    %broadcast_in_dim3A_30 = vector.broadcast %broadcast_in_dim3A : f32 to vector<48x128xf32>
    %scan3A = arith.constant 0 : i32
    %scan3A_31 = arith.constant 6000 : i32
    %scan3A_32 = arith.addi %scan3A, %scan3A_31 : i32
    %scan3A_33 = arith.constant 1 : i32
    %scan3A_34 = scf.for %scan3A_38 = %scan3A to %scan3A_32 step %scan3A_33 iter_args(%scan3A_39 = %broadcast_in_dim3A_30) -> (vector<48x128xf32>)  : i32 {
      %get3A_40 = arith.index_cast %scan3A_38 : i32 to index
      %get3A_41 = arith.constant 0 : index
      %get3A_42 = vector.load %arg1[%get3A_40, %get3A_41] : memref<6144x4xf32, #tpu.memory_space<vmem>>, vector<1x4xf32>
      %slice3A = vector.extract_strided_slice %get3A_42 {offsets = [0, 0], sizes = [1, 1], strides = [1, 1]} : vector<1x4xf32> to vector<1x1xf32>
      %squeeze3A = vector.extract %slice3A[0, 0] : f32 from vector<1x1xf32>
      %slice3A_43 = vector.extract_strided_slice %get3A_42 {offsets = [0, 1], sizes = [1, 1], strides = [1, 1]} : vector<1x4xf32> to vector<1x1xf32>
      %squeeze3A_44 = vector.extract %slice3A_43[0, 0] : f32 from vector<1x1xf32>
      %slice3A_45 = vector.extract_strided_slice %get3A_42 {offsets = [0, 2], sizes = [1, 1], strides = [1, 1]} : vector<1x4xf32> to vector<1x1xf32>
      %squeeze3A_46 = vector.extract %slice3A_45[0, 0] : f32 from vector<1x1xf32>
      %slice3A_47 = vector.extract_strided_slice %get3A_42 {offsets = [0, 3], sizes = [1, 1], strides = [1, 1]} : vector<1x4xf32> to vector<1x1xf32>
      %squeeze3A_48 = vector.extract %slice3A_47[0, 0] : f32 from vector<1x1xf32>
      %sub3A_49 = arith.subf %squeeze3A_46, %squeeze3A : f32
      %add3A_50 = arith.constant 1.000000e+00 : f32
      %add3A_51 = arith.addf %sub3A_49, %add3A_50 : f32
      %sub3A_52 = arith.subf %squeeze3A_48, %squeeze3A_44 : f32
      %add3A_53 = arith.constant 1.000000e+00 : f32
      %add3A_54 = arith.addf %sub3A_52, %add3A_53 : f32
      %mul3A_55 = arith.mulf %add3A_51, %add3A_54 : f32
      %eq3A = vector.broadcast %scan3A_38 : i32 to vector<48x128xi32>
      %eq3A_56 = arith.cmpi eq, %add3A_29, %eq3A : vector<48x128xi32>
      %jit3A = arith.constant 0.000000e+00 : f32
      %broadcast_in_dim3A_57 = vector.broadcast %jit3A : f32 to vector<48x128xf32>
      %select_n3A = arith.select %eq3A_56, %scan3A_39, %broadcast_in_dim3A_57 : vector<48x128xi1>, vector<48x128xf32>
      %reduce_max3A = vector.shape_cast %select_n3A : vector<48x128xf32> to vector<1x48x128xf32>
      %reduce_max3A_58 = arith.constant dense<0xFF800000> : vector<1xf32>
      %reduce_max3A_59 = vector.multi_reduction <maximumf>, %reduce_max3A, %reduce_max3A_58 [1, 2] : vector<1x48x128xf32> to vector<1xf32>
      %reduce_max3A_60 = vector.shape_cast %reduce_max3A_59 : vector<1xf32> to vector<1x1x1xf32>
      %reduce_max3A_61 = vector.extract %reduce_max3A_60[0, 0, 0] : f32 from vector<1x1x1xf32>
      %min3A = vector.broadcast %squeeze3A_46 : f32 to vector<48x128xf32>
      %min3A_62 = arith.minimumf %min3A, %get3A_13 : vector<48x128xf32>
      %max3A = vector.broadcast %squeeze3A : f32 to vector<48x128xf32>
      %max3A_63 = arith.maximumf %max3A, %get3A_3 : vector<48x128xf32>
      %sub3A_64 = arith.subf %min3A_62, %max3A_63 : vector<48x128xf32>
      %add3A_65 = arith.constant 1.000000e+00 : f32
      %add3A_66 = vector.broadcast %add3A_65 : f32 to vector<48x128xf32>
      %add3A_67 = arith.addf %sub3A_64, %add3A_66 : vector<48x128xf32>
      %max3A_68 = arith.constant 0.000000e+00 : f32
      %max3A_69 = vector.broadcast %max3A_68 : f32 to vector<48x128xf32>
      %max3A_70 = arith.maximumf %max3A_69, %add3A_67 : vector<48x128xf32>
      %min3A_71 = vector.broadcast %squeeze3A_48 : f32 to vector<48x128xf32>
      %min3A_72 = arith.minimumf %min3A_71, %get3A_18 : vector<48x128xf32>
      %max3A_73 = vector.broadcast %squeeze3A_44 : f32 to vector<48x128xf32>
      %max3A_74 = arith.maximumf %max3A_73, %get3A_8 : vector<48x128xf32>
      %sub3A_75 = arith.subf %min3A_72, %max3A_74 : vector<48x128xf32>
      %add3A_76 = arith.constant 1.000000e+00 : f32
      %add3A_77 = vector.broadcast %add3A_76 : f32 to vector<48x128xf32>
      %add3A_78 = arith.addf %sub3A_75, %add3A_77 : vector<48x128xf32>
      %max3A_79 = arith.constant 0.000000e+00 : f32
      %max3A_80 = vector.broadcast %max3A_79 : f32 to vector<48x128xf32>
      %max3A_81 = arith.maximumf %max3A_80, %add3A_78 : vector<48x128xf32>
      %mul3A_82 = arith.mulf %max3A_70, %max3A_81 : vector<48x128xf32>
      %add3A_83 = vector.broadcast %mul3A_55 : f32 to vector<48x128xf32>
      %add3A_84 = arith.addf %add3A_83, %mul3A : vector<48x128xf32>
      %sub3A_85 = arith.subf %add3A_84, %mul3A_82 : vector<48x128xf32>
      %div3A = arith.divf %mul3A_82, %sub3A_85 : vector<48x128xf32>
      %gt3A = arith.constant 0.699999988 : f32
      %gt3A_86 = vector.broadcast %gt3A : f32 to vector<48x128xf32>
      %gt3A_87 = arith.cmpf ogt, %div3A, %gt3A_86 : vector<48x128xf32>
      %gt3A_88 = vector.broadcast %scan3A_38 : i32 to vector<48x128xi32>
      %gt3A_89 = arith.cmpi sgt, %add3A_29, %gt3A_88 : vector<48x128xi32>
      %and3A = arith.andi %gt3A_87, %gt3A_89 : vector<48x128xi1>
      %lt3A = arith.constant 5.000000e-01 : f32
      %lt3A_90 = arith.cmpf olt, %reduce_max3A_61, %lt3A : f32
      %and3A_91 = vector.broadcast %lt3A_90 : i1 to vector<48x128xi1>
      %and3A_92 = arith.andi %and3A, %and3A_91 : vector<48x128xi1>
      %jit3A_93 = arith.constant 1.000000e+00 : f32
      %broadcast_in_dim3A_94 = vector.broadcast %jit3A_93 : f32 to vector<48x128xf32>
      %select_n3A_95 = arith.select %and3A_92, %broadcast_in_dim3A_94, %scan3A_39 : vector<48x128xi1>, vector<48x128xf32>
      scf.yield %select_n3A_95 : vector<48x128xf32>
    }
    %scan3A_35 = arith.constant 6000 : i32
    %swap3A = arith.constant 0 : index
    %swap3A_36 = arith.constant 0 : index
    %swap3A_37 = vector.load %arg2[%swap3A, %swap3A_36] : memref<48x128xf32, #tpu.memory_space<vmem>>, vector<48x128xf32>
    tpu.vector_store %arg2[%swap3A, %swap3A_36], %scan3A_34 {strides = array<i32>} : memref<48x128xf32, #tpu.memory_space<vmem>>, vector<48x128xf32>,
    return
  }
}

</mosaic_0001>

<sc_bundles>
// kernel: gather_offload_async_start
scs
__scs_entry_jumppad:
0x0: {  	(pc) =	sbr.rel $0x88, $3  }
0x1: {  	(tag) =	ssettag $0x0;
	lr =	simm.s32 $0x1  }
0x2: {  	[smem:$0x3F99] =	sst lr;
	_ =	strace $0xD0000000  }
0x3: {  	_ = 	snop  }
0x4: {  	_ = 	snop  }
0x5: {  	_ = 	snop  }
0x6: {  	_ = 	snop  }
0x7: {  	_ = 	snop  }
__scs_overlays_trampoline_lowered:
0x8: {  	[smem:$0x3FA8] =	sst s0  }
0x9: {  	[smem:$0x3FA9] =	sst s1  }
0xa: {  	[smem:$0x3FAA] =	sst s2  }
0xb: {  	[smem:$0x3FAB] =	sst s3  }
0xc: {  	[smem:$0x3FAC] =	sst s4  }
0xd: {  	[smem:$0x3FAD] =	sst s5  }
0xe: {  	[smem:$0x3FAE] =	sst s6  }
0xf: {  	[smem:$0x3FAF] =	sst s7  }
0x10: {  	[smem:$0x3FB0] =	sst s8  }
0x11: {  	[smem:$0x3FB1] =	sst s9;
	s0 =	simm.s32 @!p0 $0x0  }
0x12: {  	s1 =	sld [smem:$0x3F97];
	s0 =	simm.s32 @p0 $0x1  }
0x13: {  	[smem:$0x3FB2] =	sst s0;
	s0 =	simm.s32 @!p1 $0x0  }
0x14: {  	s2 =	sld [smem:$0x3F96];
	s0 =	simm.s32 @p1 $0x1  }
0x15: {  	[smem:$0x3FB3] =	sst s0;
	s0 =	simm.s32 @!p2 $0x0  }
0x16: {  	s3 =	sld [smem:$0x3FDB];
	s0 =	simm.s32 @p2 $0x1  }
0x17: {  	s4 =	simm.s32 $0x1BF5;
	[smem:$0x3FB5] =	sst s0  }
0x18: {  	s0 =	sld [smem:$0x3F98];
	_ =	swait.ge [sflag:s4], $0x0  }
0x19: {  	s7 =	sld [smem:$0x3F99]  }
0x1a: {  	s8 =	sadd.s32 $0xFFFFE003, lr  }
0x1b: {  	s9 =	sadd.s32 $0xFFFFFEF7, lr;
	s5 =	simm.s32 $0xFFFFFFFF;
	p2 =	slt.u32 s8, $0xFFFFF086  }
0x1c: {  	p1 =	slt.u32 s9, $0xF7A;
	s5 =	simm.s32 @!p2 $0x0  }
0x1d: {  	s5 =	simm.s32 @p1 $0x1;
	p0 =	seq.s32 s7, s2  }
0x1e: {  	s7 =	smul.u32 @!p0 $0xF7A, s2;
	p2 =	seq.s32 @!p0 s5, $0x0  }
0x1f: {  	s9 =	smul.u32 $0xF7A, s1;
	s8 =	simm.s32 @!p0 $0x1BF5;
	p2 =	por !p2, p0  }
0x20: {  	[sflag:s8] =	ssyncset.s32 @!p0 $0xFFFFF086;
	s6 =	sadd.s32 @!p0 s3, s7;
	s7 =	simm.s32 @!p0 $0x108  }
0x21: {  	s3 =	sadd.s32 s3, s9;
	s6 =	sadd.s32 @!p0 $0x88, s6;
	s7 =	simm.s32 @p2 $0x1082  }
0x22: {  	[simem:s7], [sflag:s8] =	dma.local @!p0 [hbm:s6], $0xF7A  }
0x23: {  	s9 =	sor.u32 $0xD0000000, s2;
	s6 =	simm.s32 $0x108;
	_ =	swait.ge @!p0 [sflag:s8], $0x0  }
0x24: {  	s3 =	sadd.s32 $0x88, s3;
	s6 =	simm.s32 @!p1 $0x1082;
	[sflag:s4] =	ssyncset.s32 $0xFFFFF086  }
0x25: {  	[simem:s6], [sflag:s4] =	dma.local [hbm:s3], $0xF7A  }
0x26: {  	[smem:$0x3F99] =	sst s1;
	(tag) =	ssettag s2;
	_ =	strace s9  }
0x27: {  	s1 =	sld [smem:$0x3FA9]  }
0x28: {  	s2 =	sld [smem:$0x3FAA]  }
0x29: {  	s4 =	sld [smem:$0x3FAC]  }
0x2a: {  	p0 =	seq.s32 s5, $0x0;
	s5 =	sld [smem:$0x3FAD]  }
0x2b: {  	s6 =	sld [smem:$0x3FAE]  }
0x2c: {  	s7 =	sld [smem:$0x3FAF]  }
0x2d: {  	s3 =	simm.s32 $0x108;
	s8 =	sld [smem:$0x3FB0]  }
0x2e: {  	s3 =	simm.s32 @!p0 $0x1082;
	s9 =	sld [smem:$0x3FB1]  }
0x2f: {  	lr =	sadd.s32 s0, s3;
	s0 =	sld [smem:$0x3FA8]  }
0x30: {  	s3 =	sld [smem:$0x3FAB]  }
0x31: {  	[smem:$0x3FB4] =	sst s10  }
0x32: {  	s10 =	sld [smem:$0x3FB2];
	_ =	sdelay $0x3  }
0x33: {  	p0 =	seq.s32 s10, $0x1;
	s10 =	sld [smem:$0x3FB4];
	_ =	sdelay $0x3  }
0x34: {  	[smem:$0x3FB4] =	sst s10  }
0x35: {  	s10 =	sld [smem:$0x3FB3];
	_ =	sdelay $0x3  }
0x36: {  	p1 =	seq.s32 s10, $0x1;
	s10 =	sld [smem:$0x3FB4];
	_ =	sdelay $0x3  }
0x37: {  	[smem:$0x3FB4] =	sst s10  }
0x38: {  	s10 =	sld [smem:$0x3FB5]  }
0x39: {  	_ = 	snop;
	(pc) =	sbr.ind lr, $3  }
0x3a: {  	_ = 	snop  }
0x3b: {  	_ = 	snop  }
0x3c: {  	p2 =	seq.s32 s10, $0x1;
	s10 =	sld [smem:$0x3FB4]  }
0x3d: {  	_ =	shalt  }
0x3e: {  	_ =	shalt  }
0x3f: {  	_ =	shalt  }
0x40: {  	_ =	shalt  }
0x41: {  	_ =	shalt  }
0x42: {  	_ =	shalt  }
0x43: {  	_ =	shalt  }
0x44: {  	_ =	shalt  }
0x45: {  	_ =	shalt  }
0x46: {  	_ =	shalt  }
0x47: {  	_ =	shalt  }
0x48: {  	_ =	shalt  }
0x49: {  	_ =	shalt  }
0x4a: {  	_ =	shalt  }
0x4b: {  	_ =	shalt  }
0x4c: {  	_ =	shalt  }
0x4d: {  	_ =	shalt  }
0x4e: {  	_ =	shalt  }
0x4f: {  	_ =	shalt  }
0x50: {  	_ =	shalt  }
0x51: {  	_ =	shalt  }
0x52: {  	_ =	shalt  }
0x53: {  	_ =	shalt  }
0x54: {  	_ =	shalt  }
0x55: {  	_ =	shalt  }
0x56: {  	_ =	shalt  }
0x57: {  	_ =	shalt  }
0x58: {  	_ =	shalt  }
0x59: {  	_ =	shalt  }
0x5a: {  	_ =	shalt  }
0x5b: {  	_ =	shalt  }
0x5c: {  	_ =	shalt  }
0x5d: {  	_ =	shalt  }
0x5e: {  	_ =	shalt  }
0x5f: {  	_ =	shalt  }
0x60: {  	_ =	shalt  }
0x61: {  	_ =	shalt  }
0x62: {  	_ =	shalt  }
0x63: {  	_ =	shalt  }
0x64: {  	_ =	shalt  }
0x65: {  	_ =	shalt  }
0x66: {  	_ =	shalt  }
0x67: {  	_ =	shalt  }
0x68: {  	_ =	shalt  }
0x69: {  	_ =	shalt  }
0x6a: {  	_ =	shalt  }
0x6b: {  	_ =	shalt  }
0x6c: {  	_ =	shalt  }
0x6d: {  	_ =	shalt  }
0x6e: {  	_ =	shalt  }
0x6f: {  	_ =	shalt  }
0x70: {  	_ =	shalt  }
0x71: {  	_ =	shalt  }
0x72: {  	_ =	shalt  }
0x73: {  	_ =	shalt  }
0x74: {  	_ =	shalt  }
0x75: {  	_ =	shalt  }
0x76: {  	_ =	shalt  }
0x77: {  	_ =	shalt  }
0x78: {  	_ =	shalt  }
0x79: {  	_ =	shalt  }
0x7a: {  	_ =	shalt  }
0x7b: {  	_ =	shalt  }
0x7c: {  	_ =	shalt  }
0x7d: {  	_ =	shalt  }
0x7e: {  	_ =	shalt  }
0x7f: {  	_ =	shalt  }
0x80: {  	_ =	shalt  }
0x81: {  	_ =	shalt  }
0x82: {  	_ =	shalt  }
0x83: {  	_ =	shalt  }
0x84: {  	_ =	shalt  }
0x85: {  	_ =	shalt  }
0x86: {  	_ =	shalt  }
0x87: {  	_ =	shalt  }
.Lfunc_end0:
.L_simem_size_0:
called_computation_lowered:
.L_overlay_start_0:
0x88: {  	s0 =	sld [smem:$0x3FD9]  }
0x89: {  	s1 =	sld [smem:$0x3FFE];
	_ =	sdelay $0x3  }
0x8a: {  	s0 =	sadd.s32 s1, s0  }
0x8b: {  	[smem:$0x3FC0] =	sst s0  }
0x8c: {  	_ = 	snop  }
0x8d: {  	(tm) =	ssettm $0x1  }
0x8e: {  	s15 =	sld [smem:$0x3FFB];
	_ =	sdelay $0x3  }
0x8f: {  	_ =	strace s15  }
0x90: {  	s0 =	sld [smem:$0x3FFC];
	_ =	sdelay $0x3  }
0x91: {  	_ =	strace s0  }
0x92: {  	s0 =	sld [smem:$0x3FFD];
	_ =	sdelay $0x3  }
0x93: {  	_ =	strace s0  }
0x94: {  	_ =	strace $0x8FFFFFFF  }
0x95: {  	s16 =	sld [smem:$0x3FDB];
	_ =	sdelay $0x1  }
0x96: {  	s17 =	simm.s32 $_scs_section_size  }
0x97: {  	s2 =	simm.s32 $_size__tile_overlayer_lowered;
	s3 =	simm.s32 $_tile_overlayer_lowered  }
0x98: {  	s20 =	simm.s32 $0x1BFF;
	s19 =	sshll.u32 s3, $0x1;
	s0 =	sadd.s32 s17, s16  }
0x99: {  	s4 =	simm.s32 $0x0;
	s18 =	sshll.u32 s2, $0x1;
	s2 =	sadd.s32 s19, s0  }
0x9a: {  	[timem:s4], [sflag:s20] =	dma.local [hbm:s2], s18  }
0x9b: {  	_ =	swait.ge [sflag:s20], s18  }
0x9c: {  	s1 =	ssub.s32 $0x0, s18;
	[sflag:s20] =	ssyncset.done $0x0  }
0x9d: {  	[sflag:s20] =	ssyncadd.s32 s1;
	_ =	sdelay $0x1  }
0x9e: {  	s21 =	simm.s32 $0x1B8B  }
0x9f: {  	_ =	swait.ge [sflag:s21], $0x1  }
0xa0: {  	[sflag:s21] =	ssyncset.done $0x0  }
0xa1: {  	s23 =	simm.s32 $0x1B8E;
	s22 =	sld [smem:$0x3FFE];
	[sflag:s21] =	ssyncadd.s32 $0xFFFFFFFF  }
0xa2: {  	s24 =	simm.s32 $execute0_lowered;
	[smem:$0x3FD2] =	sst s23  }
0xa3: {  	s2 =	sshll.u32 s24, $0x1;
	_ =	strace $0x80000046;
	[dreg:$0x1] =	wrdreg $0xFFFFFFFF  }
0xa4: {  	s25 =	simm.s32 $_size_execute0_lowered;
	s0 =	sadd.s32 s0, s2;
	[dreg:$0x0] =	wrdreg $0x0  }
0xa5: {  	s2 =	sshll.u32 s25, $0x1;
	[dreg:$0x2] =	wrdreg s0  }
0xa6: {  	[dreg:$0x3] =	wrdreg s2  }
0xa7: {  	[dreg:$0x4] =	wrdreg $0xC0  }
0xa8: {  	_ =	task [dreg:s4], $0x5FFFF  }
0xa9: {  	[dreg:$0x1] =	wrdreg $0xFFFFFFFF  }
0xaa: {  	[dreg:$0x0] =	wrdreg $0x60  }
0xab: {  	[dreg:$0x2] =	wrdreg s22  }
0xac: {  	[dreg:$0x3] =	wrdreg $0x9  }
0xad: {  	_ =	task.clear_ibuf [dreg:s4], $0x4FFFF;
	_ =	strace $0x90000046  }
0xae: {  	s26 =	simm.s32 $0x9;
	_ =	strace $0x80000048  }
0xaf: {  	_ =	swait.ge [sflag:s26], $0x1  }
0xb0: {  	[sflag:s26] =	ssyncadd.s32 $0xFFFFFFFF  }
0xb1: {  	_ =	strace $0x90000048  }
0xb2: {  	_ =	sfence  }
0xb3: {  	s28 =	sld [smem:$0x0];
	_ =	sdelay $0x1  }
0xb4: {  	s29 =	srdreg.scid  }
0xb5: {  	s30 =	sshll.u32 s29, $0xD;
	s31 =	sshrl.u32 s29, $0x2  }
0xb6: {  	s1 =	sand.u32 $0x1, s29;
	s2 =	sand.u32 $0x4000, s30;
	s0 =	sadd.s32 s31, s28  }
0xb7: {  	s1 =	sor.u32 s2, s1;
	s0 =	sshll.u32 s0, $0x11  }
0xb8: {  	s0 =	sor.u32 s0, s1  }
0xb9: {  	s0 =	sadd.s32 $0x8F2B, s0  }
0xba: {  	[sflag:s0] =	ssyncadd.remote.s32 $0x1  }
0xbb: {  	_ =	sfence.sel $0xFFFF  }
0xbc: {  	[dreg:$0x0] =	wrdreg $0xFFFFFFFF;
	(pc) =	sbr.abs _section_cstart, $3  }
0xbd: {  	[dreg:$0x1] =	wrdreg $0xFFFFFFFF  }
0xbe: {  	_ =	task.clear_ibuf [dreg:s4], $0x2FFFF;
	_ =	strace $0x9FFFFFFF  }
0xbf: {  	(tm) =	ssettm $0x7FFFFFFF  }
tec
execute0_lowered:
.L_overlay_start_1:
0x0: {  	(tag) =	ssettag $0x1  }
0x1: {  	s0 =	stileid.u32  }
0x2: {  	s1 =	smin.u32 s0, $0xE  }
0x3: {  	s1 =	sadd.s32 s0, s1  }
0x4: {  	s2 =	simm.s32 $0x190;
	p0 =	slt.u32 s0, $0xE;
	s1 =	smul.u32 $0xC8, s1  }
0x5: {  	s2 =	simm.s32 @!p0 $0xC8  }
0x6: {  	s2 =	sadd.s32 s2, s1  }
0x7: {  	s3 =	smin.u32 s2, $0x1770  }
0x8: {  	s7 =	ssub.s32 s3, s1  }
0x9: {  	p0 =	sgt.s32 s7, $0x0  }
0xa: {  	s7 =	simm.s32 @!p0 $0x0  }
0xb: {  	s31 =	sand.u32 $0xFFF8, s7  }
0xc: {  	s2 =	sshrl.u32 s31, $0x3  }
0xd: {  	s2 =	smul.u32 $0x147B, s2  }
0xe: {  	s4 =	rddreg [dreg:$0x0];
	s6 =	simm.s32 $0x1  }
0xf: {  	s10 =	simm.s32 $0x3;
	s13 =	simm.s32 $0x0;
	s8 =	sshrl.u32 s2, $0x11  }
0x10: {  	s12 =	simm.s32 $0x0;
	s5 =	sadd.s32 $0xE1000, s4;
	s9 =	smul.u32 $0xC8, s8  }
.Ltmp0:
0x11: {  	s11 =	smov.u32 s1;
	s2 =	rddreg [dreg:$0x1];
	(pc) =	sbr.rel .LBB2_1-.Ltmp0, $4  }
0x12: {  	_ =	strace $0x80000047;
	p0 =	sne.s32 s7, s9;
	s9 =	simm.s32 $0x1  }
0x13: {  	[sflag:s6] =	ssyncpa.u1 $0x0;
	s7 =	simm.s32 $0x2;
	s9 =	simm.s32 @!p0 $0x0  }
0x14: {  	[sflag:s7] =	ssyncpa.u1 $0x0;
	p0 =	por $0x0, $0x0;
	s8 =	sadd.s32 s8, s9  }
0x15: {  	vm0 =	vmmov $0xff;
	vm1 =	vcmask $0x3F20;
	s9 =	sadd.s32 $0xE1400, s4;
	[sflag:s10] =	ssyncpa.u1 $0x0;
	s10 =	sadd.s32 $0x1, s8  }
.LBB2_6:
0x16: {  	[hbm:s17] =	stream.linear.scatter [tilespmem:s14], [sflag:$0x3], $0x400, $0x38;
	[tilespmem:$0xC990] =	vst v63  }
.LBB2_7:
0x17: {  	s13 =	sadd.s32 $0xC8, s11  }
0x18: {  	s15 =	smov.u32 s1;
	p2 =	slt.s32 s13, s3  }
0x19: {  	s15 =	smov.u32 @p2 s13;
	p2 =	sne.s32 s12, s10  }
.Ltmp1:
0x1a: {  	p1 =	slt.u32 s12, $0x2;
	(pc) =	sbr.rel @!p2 .LBB2_8-.Ltmp1, $4  }
0x1b: {  	s14 =	simm.s32 @!p1 $0x3  }
0x1c: {  	s16 =	sadd.s32 $0x1, s12;
	_ =	swait.ge @!p1 [sflag:s14], $0x6400  }
0x1d: {  	p0 =	por !p0, !p0;
	s13 =	smov.u32 s11;
	[sflag:s14] =	ssyncset.done @!p1 $0x0  }
0x1e: {  	s12 =	smov.u32 s16;
	s11 =	smov.u32 s15;
	[sflag:s14] =	ssyncadd.s32 @!p1 $0xFFFF9C00  }
.LBB2_1:
0x1f: {  	p1 =	sge.u32 s12, s8  }
0x20: {  	s14 =	sxor.u32 @!p1 $0xFFFFFFFF, s12  }
0x21: {  	s14 =	sand.u32 @!p1 $0x1, s14  }
0x22: {  	s14 =	smul.u32 @!p1 $0x320, s14  }
0x23: {  	s31 =	sadd.s32 $0xFFFFFFFF, s12;
	s15 =	sshrl.u32 @!p1 s11, $0x3  }
0x24: {  	s16 =	sand.u32 @!p1 $0x7, s11;
	s15 =	sadd.s32 @!p1 s5, s15;
	s14 =	sshrl.u32 @!p1 s14, $0x2  }
0x25: {  	[tilespmem:s14], [sflag:$0x2] =	stream.linear.gather @!p1 [hbm4b:s15+s16], $0xC8, $0x38;
	[tilespmem:$0xC990] =	vst v63  }
0x26: {  	p1 =	sge.u32 s31, s8  }
.Ltmp2:
0x27: {  	_ = 	snop;
	(pc) =	sbr.rel @p1 .LBB2_7-.Ltmp2, $1  }
0x28: {  	_ =	sdelay $0x3  }
0x29: {  	s14 =	simm.s32 $0x1  }
0x2a: {  	s14 =	simm.s32 @!p0 $0x0  }
0x2b: {  	s15 =	smul.u32 $0x320, s14  }
0x2c: {  	_ =	swait.ge [sflag:s7], $0xC8  }
0x2d: {  	[sflag:s7] =	ssyncset.done $0x0;
	s16 =	sshrl.u32 s15, $0x2  }
0x2e: {  	[sflag:s7] =	ssyncadd.s32 $0xFFFFFF38;
	s15 =	sadd.s32 $0x0, s16  }
0x2f: {  	v0 =	vld.msk [tilespmem:s15+$0x0 ss:$0x1], $0xffff;
	_ =	sdelay $0x4  }
0x30: {  	vm2 =	vgt.s32 v0, $0x0  }
0x31: {  	v0 =	vnsel vm2, $0x0, v0  }
0x32: {  	v0 =	vmin.u32 v0, $0xE0FF  }
0x33: {  	v0 =	vshll.u32 v0, $0x4  }
0x34: {  	s14 =	smul.u32 $0x19000, s14  }
0x35: {  	s31 =	sand.u32 $0x1, s12  }
0x36: {  	s17 =	smul.u32 $0x320, s31;
	s14 =	sshrl.u32 s14, $0x2  }
0x37: {  	s19 =	smul.u32 $0x19000, s31;
	s14 =	sor.u32 $0x190, s14  }
0x38: {  	[tilespmem:s14], [sflag:$0x1] =	stream.indirect_vreg.gather [hbm:s4], $0x80, v0, vm0, $0x38;
	[tilespmem:$0xC990] =	vst v63  }
0x39: {  	s18 =	sshrl.u32 s17, $0x2;
	s20 =	sadd.s32 $0x10, s16;
	s15 =	sadd.s32 $0x400, s14  }
0x3a: {  	[tilespmem:s15], [sflag:$0x1] =	stream.indirect_vreg.gather [hbm:s4], $0x80, v0, vm1, $0x38;
	[tilespmem:$0xC990] =	vst v63  }
0x3b: {  	s17 =	sshrl.u32 s19, $0x2;
	s19 =	smov.u32 s14;
	v0 =	vld.msk [tilespmem:s20+$0x0 ss:$0x1], $0xffff;
	s20 =	simm.s32 $0x80  }
.LBB2_3:
0x3c: {  	p1 =	sne.s32 s20, $0x2C0;
	_ =	sdelay $0x4  }
0x3d: {  	vm2 =	vgt.s32 v0, $0x0  }
0x3e: {  	v0 =	vnsel vm2, $0x0, v0  }
0x3f: {  	v0 =	vmin.u32 v0, $0xE0FF  }
0x40: {  	v0 =	vshll.u32 v0, $0x4;
	_ =	sdelay $0x3  }
.Ltmp3:
0x41: {  	s21 =	sshra.s32 s20, $0x2;
	s19 =	sadd.s32 $0x800, s19;
	(pc) =	sbr.rel @p1 .LBB2_3-.Ltmp3, $4  }
0x42: {  	[tilespmem:s19], [sflag:$0x1] =	stream.indirect_vreg.gather [hbm:s4], $0x80, v0, vm0, $0x38;
	[tilespmem:$0xC990] =	vst v63  }
0x43: {  	s21 =	sadd.s32 s21, s16;
	s22 =	sadd.s32 $0x400, s19  }
0x44: {  	[tilespmem:s22], [sflag:$0x1] =	stream.indirect_vreg.gather [hbm:s4], $0x80, v0, vm1, $0x38;
	[tilespmem:$0xC990] =	vst v63  }
0x45: {  	s20 =	sadd.s32 $0x40, s20;
	v0 =	vld.msk [tilespmem:s21+$0x0 ss:$0x1], $0xffff  }
0x46: {  	_ =	sdelay $0x3  }
0x47: {  	vm2 =	vgt.s32 v0, $0x0  }
0x48: {  	v0 =	vnsel vm2, $0x0, v0  }
0x49: {  	v0 =	vmin.u32 v0, $0xE0FF  }
0x4a: {  	v0 =	vshll.u32 v0, $0x4;
	_ =	sdelay $0x3  }
0x4b: {  	s16 =	sadd.s32 $0x800, s19  }
0x4c: {  	[tilespmem:s16], [sflag:$0x1] =	stream.indirect_vreg.gather [hbm:s4], $0x80, v0, vm0, $0x38;
	[tilespmem:$0xC990] =	vst v63  }
0x4d: {  	s16 =	sadd.s32 $0x400, s16  }
0x4e: {  	[tilespmem:s16], [sflag:$0x1] =	stream.indirect_vreg.gather [hbm:s4], $0x80, v0, vm1, $0x38;
	[tilespmem:$0xC990] =	vst v63  }
0x4f: {  	v0 =	vld.msk [tilespmem:s18+$0xC0 ss:$0x1], $0xff;
	_ =	sdelay $0x4  }
0x50: {  	vm2 =	vgt.s32 v0, $0x0  }
0x51: {  	v0 =	vnsel vm2, $0x0, v0  }
0x52: {  	v0 =	vmin.u32 v0, $0xE0FF  }
0x53: {  	v0 =	vshll.u32 v0, $0x4;
	_ =	sdelay $0x3  }
0x54: {  	s31 =	sadd.s32 $0x6190, s17  }
0x55: {  	[tilespmem:s31], [sflag:$0x1] =	stream.indirect_vreg.gather [hbm:s4], $0x80, v0, vm0, $0x38;
	[tilespmem:$0xC990] =	vst v63  }
0x56: {  	s13 =	sshll.u32 s13, $0x4;
	_ =	swait.ge [sflag:s6], $0x6400  }
0x57: {  	s13 =	sadd.s32 s13, s9;
	[sflag:s6] =	ssyncset.done $0x0  }
0x58: {  	s17 =	sadd.s32 $0x0, s13;
	s16 =	simm.s32 $0x80;
	[sflag:s6] =	ssyncadd.s32 $0xFFFF9C00  }
.LBB2_5:
0x59: {  	[hbm:s17] =	stream.linear.scatter [tilespmem:s14], [sflag:$0x3], $0x400, $0x38;
	[tilespmem:$0xC990] =	vst v63  }
0x5a: {  	s17 =	smov.u32 s16;
	s14 =	smov.u32 s15;
	p1 =	sne.s32 s16, $0xC00  }
.Ltmp4:
0x5b: {  	s16 =	sadd.s32 $0x80, s16;
	(pc) =	sbr.rel @p1 .LBB2_5-.Ltmp4, $2  }
0x5c: {  	_ =	sdelay $0x2  }
0x5d: {  	s15 =	sadd.s32 $0x400, s15;
	s17 =	sadd.s32 s17, s13  }
.Ltmp5:
0x5e: {  	_ = 	snop;
	(pc) =	sbr.rel .LBB2_6-.Ltmp5, $1  }
0x5f: {  	_ =	sdelay $0x3  }
.LBB2_8:
0x60: {  	_ =	sfence.sel $0x180000  }
0x61: {  	s1 =	simm.s32 $0x2;
	[bflag:$0x0] =	sbarrier.arrive $0xFFFF  }
0x62: {  	s30 =	simm.s32 $0x3;
	[sflag:s1] =	ssyncpa.u1 $0x1  }
0x63: {  	s31 =	simm.s32 $0x1;
	[sflag:s30] =	ssyncpa.u1 $0x1  }
0x64: {  	[sflag:s31] =	ssyncpa.u1 $0x1  }
0x65: {  	p0 =	sne.s32 s0, $0x0;
	_ =	strace $0x90000047  }
0x66: {  	s0 =	sadd.s32 @!p0 $0x100000, s2;
	[bflag:$0x2] =	sbarrier.arrive $0xFFFF  }
0x67: {  	[sflag:s0] =	ssyncadd.tile.s32 @!p0 $0x1;
	_ =	shalt  }
.Lfunc_end2:
_tile_overlayer_lowered:
.L_overlay_start_2:
0x68: {  	(tag) =	ssettag $0x2  }
0x69: {  	s0 =	rddreg [dreg:$0x0];
	s2 =	stileid.u32  }
0x6a: {  	s1 =	rddreg [dreg:$0x1];
	p0 =	sne.s32 s2, $0x0  }
0x6b: {  	s3 =	rddreg [dreg:$0x2];
	[bflag:$0x3] =	sbarrier.arrive $0xFFFF;
	s2 =	simm.s32 @!p0 $0x1C01  }
0x6c: {  	[timem:s3], [sflag:s2] =	dma.local @!p0 [hbm:s0], s1  }
0x6d: {  	s0 =	simm.s32 @!p0 $0x1  }
0x6e: {  	_ =	swait.ge @!p0 [sflag:s0], s1  }
0x6f: {  	s1 =	ssub.s32 @!p0 $0x0, s1;
	[sflag:s0] =	ssyncset.done @!p0 $0x0  }
0x70: {  	[sflag:s0] =	ssyncadd.s32 @!p0 s1  }
0x71: {  	[bflag:$0x3] =	sbarrier.arrive $0xFFFF  }
0x72: {  	_ =	shalt  }

</sc_bundles>
